<compile_context>
chip_gen: v7x
topology: tpu7x:2x2x1
jax: 0.10.2.dev20260603
libtpu: 0.0.44.dev20260713+nightly
codegen_flags: <defaults>
</compile_context>

<pallas_src>
import functools

import jax
import jax.numpy as jnp
from jax import lax
from jax.experimental import pallas as pl
from jax.experimental.pallas import tpu as pltpu
from jax.experimental.pallas import tpu_sc as plsc

N_NODES = 10000
IN_DIM = 128
OUT_DIM = 128
N_REL = 8

_TN = 1000
_K = 128
_NC = 2
_NS = 16
_NW = _NC * _NS
_RPT_Z = 624
_ACC_ROWS = 10016
_Z_TAIL = _ACC_ROWS - _RPT_Z * _NS
_RPT_O = 624
_O_TAIL = N_NODES - _RPT_O * _NS


def _mm_body(x_ref, w_ref, b_ref, o_ref):
    acc = jnp.dot(x_ref[...], w_ref[0], preferred_element_type=jnp.float32)
    o_ref[0] = jnp.maximum(acc + b_ref[0][None, :], 0.0)


def _relu_xw(x, weight, bias):
    n = x.shape[0]
    nt = n // _TN
    return pl.pallas_call(
        _mm_body,
        grid=(N_REL, nt),
        in_specs=[
            pl.BlockSpec((_TN, IN_DIM), lambda r, i: (i, 0)),
            pl.BlockSpec((1, IN_DIM, OUT_DIM), lambda r, i: (r, 0, 0)),
            pl.BlockSpec((1, OUT_DIM), lambda r, i: (0, 0)),
        ],
        out_specs=pl.BlockSpec((1, _TN, OUT_DIM), lambda r, i: (r, i, 0)),
        out_shape=jax.ShapeDtypeStruct((N_REL, n, OUT_DIM), jnp.float32),
    )(x, weight, bias.reshape(1, OUT_DIM))


def _sc_edge_scatter(h, rows, dsts, n_chunks):
    mesh = plsc.VectorSubcoreMesh(core_axis_name="c", subcore_axis_name="s")

    @functools.partial(
        pl.kernel,
        mesh=mesh,
        out_type=jax.ShapeDtypeStruct((_NC, N_NODES, OUT_DIM), jnp.float32),
        scratch_types=[
            pltpu.VMEM_SHARED((_ACC_ROWS, OUT_DIM), jnp.float32),
            pltpu.VMEM((2, _K), jnp.int32),
            pltpu.VMEM((_K, OUT_DIM), jnp.float32),
            pltpu.SemaphoreType.DMA,
        ],
    )
    def k(pair_hbm, h_hbm, out_hbm, acc, pair_v, rows_v, sem):
        c = lax.axis_index("c")
        s = lax.axis_index("s")
        wid = s * _NC + c

        def zrow(j, carry):
            def zcol(q, carry2):
                rows_v[j, pl.ds(q * 16, 16)] = jnp.zeros((16,), jnp.float32)
                return carry2
            return lax.fori_loop(0, OUT_DIM // 16, zcol, carry)
        lax.fori_loop(0, _K, zrow, 0)
        zbase = pl.multiple_of(s * _RPT_Z, 8)
        for t in range(_RPT_Z // _K):
            pltpu.sync_copy(rows_v, acc.at[pl.ds(zbase + t * _K, _K)])
        rem = _RPT_Z % _K
        if rem:
            pltpu.sync_copy(rows_v.at[pl.ds(0, rem)],
                            acc.at[pl.ds(zbase + (_RPT_Z // _K) * _K, rem)])

        @pl.when(s == _NS - 1)
        def _ztail():
            pltpu.sync_copy(rows_v.at[pl.ds(0, _Z_TAIL)],
                            acc.at[pl.ds(_RPT_Z * _NS, _Z_TAIL)])
        plsc.subcore_barrier()

        ebase = wid * n_chunks

        def body(i, carry):
            pltpu.sync_copy(pair_hbm.at[ebase + i], pair_v)
            pltpu.async_copy(h_hbm.at[pair_v.at[0]], rows_v, sem).wait()
            pltpu.sync_copy(rows_v, acc.at[pair_v.at[1]], add=True)
            return carry
        lax.fori_loop(0, n_chunks, body, 0)
        plsc.subcore_barrier()

        ob = pl.multiple_of(s * _RPT_O, 8)
        pltpu.sync_copy(acc.at[pl.ds(ob, _RPT_O)], out_hbm.at[c, pl.ds(ob, _RPT_O)])

        @pl.when(s == _NS - 1)
        def _tail():
            tb = _RPT_O * _NS
            pltpu.sync_copy(acc.at[pl.ds(tb, _O_TAIL)],
                            out_hbm.at[c, pl.ds(tb, _O_TAIL)])

    return k(jnp.stack([rows.reshape(-1, _K), dsts.reshape(-1, _K)], axis=1), h)


def _combine_body(p_ref, o_ref):
    o_ref[...] = p_ref[0] + p_ref[1]


def _combine(parts):
    nt = N_NODES // _TN
    return pl.pallas_call(
        _combine_body,
        grid=(nt,),
        in_specs=[pl.BlockSpec((_NC, _TN, OUT_DIM), lambda i: (0, i, 0))],
        out_specs=pl.BlockSpec((_TN, OUT_DIM), lambda i: (i, 0)),
        out_shape=jax.ShapeDtypeStruct((N_NODES, OUT_DIM), jnp.float32),
    )(parts)


@jax.jit
def kernel(x, edge_index, edge_type, weight, bias):
    n = x.shape[0]
    e = edge_index.shape[1]
    src = edge_index[0].astype(jnp.int32)
    dst = edge_index[1].astype(jnp.int32)
    rel = edge_type.astype(jnp.int32)
    rows = rel * n + src

    n_chunks = -(-e // (_NW * _K))
    pad = n_chunks * _K * _NW - e
    rows = jnp.concatenate([rows, jnp.zeros((pad,), jnp.int32)])
    dstp = jnp.concatenate([dst, jnp.full((pad,), n, jnp.int32)])

    h = _relu_xw(x, weight, bias).reshape(N_REL * n, OUT_DIM)
    parts = _sc_edge_scatter(h, rows, dstp, n_chunks)
    return _combine(parts)

# --- scband reference (transcript-rebuilt; emitter-appended) ---
"""Pipeline reference for scband-rgcnlayer-15006615732837 (READ-ONLY COPY).

The authoritative reference and input builder live on the scoring server;
editing this copy changes nothing except your own understanding.
"""

import jax, jax.numpy as jnp
import numpy as np

N_NODES = 10000
N_EDGES = 320000
IN_DIM = 128
OUT_DIM = 128
NUM_RELATIONS = 8


def setup_inputs(seed: int = 0) -> dict:
    key = jax.random.key(seed)
    k_x, k_ei, k_et, k_w = jax.random.split(key, 4)
    x = jax.random.normal(k_x, (N_NODES, IN_DIM), dtype=jnp.float32)
    edge_index = jax.random.randint(k_ei, (2, N_EDGES), 0, N_NODES, dtype=jnp.int64)
    edge_type = jax.random.randint(k_et, (N_EDGES,), 0, NUM_RELATIONS, dtype=jnp.int64)
    # Xavier uniform init for weight [R, in, out]
    limit = float(np.sqrt(6.0 / (IN_DIM + OUT_DIM)))
    weight = jax.random.uniform(k_w, (NUM_RELATIONS, IN_DIM, OUT_DIM), dtype=jnp.float32, minval=-limit, maxval=limit)
    bias = jnp.zeros((OUT_DIM,), dtype=jnp.float32)
    return {"x": x, "edge_index": edge_index, "edge_type": edge_type, "weight": weight, "bias": bias}


def reference(x, edge_index, edge_type, weight, bias):
    num_nodes = x.shape[0]
    out = jnp.zeros((num_nodes, weight.shape[2]), dtype=x.dtype)
    src = edge_index[0]
    dst = edge_index[1]
    x_src = jnp.take(x, src, axis=0)  # gather [E, in_dim]
    for rel_type in range(NUM_RELATIONS):
        mask = (edge_type == rel_type).astype(x.dtype)[:, None]
        aggregated = x_src @ weight[rel_type]  # [E, out_dim]
        msg = jax.nn.relu(aggregated + bias) * mask
        out = out.at[dst].add(msg)  # scatter-add into dst nodes
    return out

if __name__ == "__main__":
    import jax
    _d = setup_inputs()
    print(jax.jit(kernel)(*tuple(_d.values())))

</pallas_src>

<mosaic_0001>
#map = affine_map<(d0, d1) -> (0, 0, 0)>
#map1 = affine_map<(d0, d1) -> (0, 0)>
module attributes {stable_mosaic.version = 14 : i64} {
  func.func @k(%arg0: i32, %arg1: i32, %arg2: memref<2528x2x128xi32, #tpu.memory_space<hbm>>, %arg3: memref<80000x128xf32, #tpu.memory_space<hbm>>, %arg4: memref<2x10000x128xf32, #tpu.memory_space<hbm>>, %arg5: memref<10016x128xf32, #tpu.memory_space<vmem_shared>>, %arg6: memref<2x128xi32, #tpu.memory_space<vmem>>, %arg7: memref<128x128xf32, #tpu.memory_space<vmem>>, %arg8: memref<!tpu.dma_semaphore, #tpu.memory_space<semaphore_mem>>) attributes {dimension_semantics = [#tpu.dimension_semantics<core_parallel>, #tpu.dimension_semantics<subcore_parallel>], iteration_bounds = array<i64: 2, 16>, scalar_prefetch = 0 : i64, scratch_operands = 4 : i64, tpu.core_type = #tpu.core_type<sc_vector_subcore>, window_params = [{transform_indices = #map}, {transform_indices = #map1}, {transform_indices = #map}]} {
    %mul3A = arith.constant 2 : i32
    %mul3A_0 = arith.muli %arg1, %mul3A : i32
    %add3A = arith.addi %mul3A_0, %arg0 : i32
    %scan3A = arith.constant 0 : i32
    %scan3A_1 = arith.constant 0 : i32
    %scan3A_2 = arith.constant 128 : i32
    %scan3A_3 = arith.addi %scan3A_1, %scan3A_2 : i32
    %scan3A_4 = arith.constant 1 : i32
    scf.for %scan3A_37 = %scan3A_1 to %scan3A_3 step %scan3A_4  : i32 {
      %scan3A_38 = arith.constant 0 : i32
      %scan3A_39 = arith.constant 8 : i32
      %scan3A_40 = arith.addi %scan3A_38, %scan3A_39 : i32
      %scan3A_41 = arith.constant 1 : i32
      scf.for %scan3A_43 = %scan3A_38 to %scan3A_40 step %scan3A_41  : i32 {
        %broadcast_in_dim3A = arith.constant 0.000000e+00 : f32
        %broadcast_in_dim3A_44 = vector.broadcast %broadcast_in_dim3A : f32 to vector<16xf32>
        %mul3A_45 = arith.constant 16 : i32
        %mul3A_46 = arith.muli %scan3A_43, %mul3A_45 : i32
        %swap3A = arith.index_cast %scan3A_37 : i32 to index
        %swap3A_47 = arith.index_cast %mul3A_46 : i32 to index
        %swap3A_48 = tpu.vector_load %arg7[%swap3A, %swap3A_47] {strides = array<i32>} : memref<128x128xf32, #tpu.memory_space<vmem>>, vector<1x16xf32>,
        %swap3A_49 = vector.shape_cast %swap3A_48 : vector<1x16xf32> to vector<16xf32>
        %swap3A_50 = vector.shape_cast %broadcast_in_dim3A_44 : vector<16xf32> to vector<1x16xf32>
        tpu.vector_store %arg7[%swap3A, %swap3A_47], %swap3A_50 {strides = array<i32>} : memref<128x128xf32, #tpu.memory_space<vmem>>, vector<1x16xf32>,
      }
      %scan3A_42 = arith.constant 8 : i32
    }
    %scan3A_5 = arith.constant 128 : i32
    %mul3A_6 = arith.constant 624 : i32
    %mul3A_7 = arith.muli %arg1, %mul3A_6 : i32
    %multiple_of3A = tpu.assume_multiple %mul3A_7, 8 : i32
    %add3A_8 = arith.constant 0 : i32
    %add3A_9 = arith.addi %multiple_of3A, %add3A_8 : i32
    "tpu.region"() ({
      %run_scoped3A = tpu.sem_alloc : memref<!tpu.dma_semaphore, #tpu.memory_space<semaphore_mem>>
      %dma_start3A = arith.constant 0 : i32
      %dma_start3A_37 = tpu.memref_slice %arg5[%add3A_9, %dma_start3A] : memref<10016x128xf32, #tpu.memory_space<vmem_shared>> -> memref<128x128xf32, #tpu.memory_space<vmem_shared>>
      %dma_start3A_38 = arith.constant 0 : i32
      %dma_start3A_39 = tpu.memref_slice %arg5[%add3A_9, %dma_start3A_38] : memref<10016x128xf32, #tpu.memory_space<vmem_shared>> -> memref<128x128xf32, #tpu.memory_space<vmem_shared>>
      tpu.enqueue_dma source(%arg7 : memref<128x128xf32, #tpu.memory_space<vmem>>) target(%dma_start3A_39 : memref<128x128xf32, #tpu.memory_space<vmem_shared>>) target_semaphore(%run_scoped3A : memref<!tpu.dma_semaphore, #tpu.memory_space<semaphore_mem>>)
      %dma_wait3A = arith.constant 0 : i32
      %dma_wait3A_40 = tpu.memref_slice %arg5[%add3A_9, %dma_wait3A] : memref<10016x128xf32, #tpu.memory_space<vmem_shared>> -> memref<128x128xf32, #tpu.memory_space<vmem_shared>>
      %dma_wait3A_41 = arith.constant 0 : i32
      %dma_wait3A_42 = tpu.memref_slice %arg5[%add3A_9, %dma_wait3A_41] : memref<10016x128xf32, #tpu.memory_space<vmem_shared>> -> memref<128x128xf32, #tpu.memory_space<vmem_shared>>
      tpu.wait_dma2 semaphore(%run_scoped3A : memref<!tpu.dma_semaphore, #tpu.memory_space<semaphore_mem>>) src(%arg7 : memref<128x128xf32, #tpu.memory_space<vmem>>) dst(%dma_wait3A_42 : memref<128x128xf32, #tpu.memory_space<vmem_shared>>)
      tpu.yield
    }) : () -> ()
    %add3A_10 = arith.constant 128 : i32
    %add3A_11 = arith.addi %multiple_of3A, %add3A_10 : i32
    "tpu.region"() ({
      %run_scoped3A = tpu.sem_alloc : memref<!tpu.dma_semaphore, #tpu.memory_space<semaphore_mem>>
      %dma_start3A = arith.constant 0 : i32
      %dma_start3A_37 = tpu.memref_slice %arg5[%add3A_11, %dma_start3A] : memref<10016x128xf32, #tpu.memory_space<vmem_shared>> -> memref<128x128xf32, #tpu.memory_space<vmem_shared>>
      %dma_start3A_38 = arith.constant 0 : i32
      %dma_start3A_39 = tpu.memref_slice %arg5[%add3A_11, %dma_start3A_38] : memref<10016x128xf32, #tpu.memory_space<vmem_shared>> -> memref<128x128xf32, #tpu.memory_space<vmem_shared>>
      tpu.enqueue_dma source(%arg7 : memref<128x128xf32, #tpu.memory_space<vmem>>) target(%dma_start3A_39 : memref<128x128xf32, #tpu.memory_space<vmem_shared>>) target_semaphore(%run_scoped3A : memref<!tpu.dma_semaphore, #tpu.memory_space<semaphore_mem>>)
      %dma_wait3A = arith.constant 0 : i32
      %dma_wait3A_40 = tpu.memref_slice %arg5[%add3A_11, %dma_wait3A] : memref<10016x128xf32, #tpu.memory_space<vmem_shared>> -> memref<128x128xf32, #tpu.memory_space<vmem_shared>>
      %dma_wait3A_41 = arith.constant 0 : i32
      %dma_wait3A_42 = tpu.memref_slice %arg5[%add3A_11, %dma_wait3A_41] : memref<10016x128xf32, #tpu.memory_space<vmem_shared>> -> memref<128x128xf32, #tpu.memory_space<vmem_shared>>
      tpu.wait_dma2 semaphore(%run_scoped3A : memref<!tpu.dma_semaphore, #tpu.memory_space<semaphore_mem>>) src(%arg7 : memref<128x128xf32, #tpu.memory_space<vmem>>) dst(%dma_wait3A_42 : memref<128x128xf32, #tpu.memory_space<vmem_shared>>)
      tpu.yield
    }) : () -> ()
    %add3A_12 = arith.constant 256 : i32
    %add3A_13 = arith.addi %multiple_of3A, %add3A_12 : i32
    "tpu.region"() ({
      %run_scoped3A = tpu.sem_alloc : memref<!tpu.dma_semaphore, #tpu.memory_space<semaphore_mem>>
      %dma_start3A = arith.constant 0 : i32
      %dma_start3A_37 = tpu.memref_slice %arg5[%add3A_13, %dma_start3A] : memref<10016x128xf32, #tpu.memory_space<vmem_shared>> -> memref<128x128xf32, #tpu.memory_space<vmem_shared>>
      %dma_start3A_38 = arith.constant 0 : i32
      %dma_start3A_39 = tpu.memref_slice %arg5[%add3A_13, %dma_start3A_38] : memref<10016x128xf32, #tpu.memory_space<vmem_shared>> -> memref<128x128xf32, #tpu.memory_space<vmem_shared>>
      tpu.enqueue_dma source(%arg7 : memref<128x128xf32, #tpu.memory_space<vmem>>) target(%dma_start3A_39 : memref<128x128xf32, #tpu.memory_space<vmem_shared>>) target_semaphore(%run_scoped3A : memref<!tpu.dma_semaphore, #tpu.memory_space<semaphore_mem>>)
      %dma_wait3A = arith.constant 0 : i32
      %dma_wait3A_40 = tpu.memref_slice %arg5[%add3A_13, %dma_wait3A] : memref<10016x128xf32, #tpu.memory_space<vmem_shared>> -> memref<128x128xf32, #tpu.memory_space<vmem_shared>>
      %dma_wait3A_41 = arith.constant 0 : i32
      %dma_wait3A_42 = tpu.memref_slice %arg5[%add3A_13, %dma_wait3A_41] : memref<10016x128xf32, #tpu.memory_space<vmem_shared>> -> memref<128x128xf32, #tpu.memory_space<vmem_shared>>
      tpu.wait_dma2 semaphore(%run_scoped3A : memref<!tpu.dma_semaphore, #tpu.memory_space<semaphore_mem>>) src(%arg7 : memref<128x128xf32, #tpu.memory_space<vmem>>) dst(%dma_wait3A_42 : memref<128x128xf32, #tpu.memory_space<vmem_shared>>)
      tpu.yield
    }) : () -> ()
    %add3A_14 = arith.constant 384 : i32
    %add3A_15 = arith.addi %multiple_of3A, %add3A_14 : i32
    "tpu.region"() ({
      %run_scoped3A = tpu.sem_alloc : memref<!tpu.dma_semaphore, #tpu.memory_space<semaphore_mem>>
      %dma_start3A = arith.constant 0 : i32
      %dma_start3A_37 = tpu.memref_slice %arg5[%add3A_15, %dma_start3A] : memref<10016x128xf32, #tpu.memory_space<vmem_shared>> -> memref<128x128xf32, #tpu.memory_space<vmem_shared>>
      %dma_start3A_38 = arith.constant 0 : i32
      %dma_start3A_39 = tpu.memref_slice %arg5[%add3A_15, %dma_start3A_38] : memref<10016x128xf32, #tpu.memory_space<vmem_shared>> -> memref<128x128xf32, #tpu.memory_space<vmem_shared>>
      tpu.enqueue_dma source(%arg7 : memref<128x128xf32, #tpu.memory_space<vmem>>) target(%dma_start3A_39 : memref<128x128xf32, #tpu.memory_space<vmem_shared>>) target_semaphore(%run_scoped3A : memref<!tpu.dma_semaphore, #tpu.memory_space<semaphore_mem>>)
      %dma_wait3A = arith.constant 0 : i32
      %dma_wait3A_40 = tpu.memref_slice %arg5[%add3A_15, %dma_wait3A] : memref<10016x128xf32, #tpu.memory_space<vmem_shared>> -> memref<128x128xf32, #tpu.memory_space<vmem_shared>>
      %dma_wait3A_41 = arith.constant 0 : i32
      %dma_wait3A_42 = tpu.memref_slice %arg5[%add3A_15, %dma_wait3A_41] : memref<10016x128xf32, #tpu.memory_space<vmem_shared>> -> memref<128x128xf32, #tpu.memory_space<vmem_shared>>
      tpu.wait_dma2 semaphore(%run_scoped3A : memref<!tpu.dma_semaphore, #tpu.memory_space<semaphore_mem>>) src(%arg7 : memref<128x128xf32, #tpu.memory_space<vmem>>) dst(%dma_wait3A_42 : memref<128x128xf32, #tpu.memory_space<vmem_shared>>)
      tpu.yield
    }) : () -> ()
    %add3A_16 = arith.constant 512 : i32
    %add3A_17 = arith.addi %multiple_of3A, %add3A_16 : i32
    "tpu.region"() ({
      %run_scoped3A = tpu.sem_alloc : memref<!tpu.dma_semaphore, #tpu.memory_space<semaphore_mem>>
      %dma_start3A = arith.constant 0 : i32
      %dma_start3A_37 = arith.constant 0 : i32
      %dma_start3A_38 = tpu.memref_slice %arg7[%dma_start3A, %dma_start3A_37] : memref<128x128xf32, #tpu.memory_space<vmem>> -> memref<112x128xf32, #tpu.memory_space<vmem>>
      %dma_start3A_39 = arith.constant 0 : i32
      %dma_start3A_40 = tpu.memref_slice %arg5[%add3A_17, %dma_start3A_39] : memref<10016x128xf32, #tpu.memory_space<vmem_shared>> -> memref<112x128xf32, #tpu.memory_space<vmem_shared>>
      %dma_start3A_41 = arith.constant 0 : i32
      %dma_start3A_42 = tpu.memref_slice %arg5[%add3A_17, %dma_start3A_41] : memref<10016x128xf32, #tpu.memory_space<vmem_shared>> -> memref<112x128xf32, #tpu.memory_space<vmem_shared>>
      %dma_start3A_43 = arith.constant 0 : i32
      %dma_start3A_44 = arith.constant 0 : i32
      %dma_start3A_45 = tpu.memref_slice %arg7[%dma_start3A_43, %dma_start3A_44] : memref<128x128xf32, #tpu.memory_space<vmem>> -> memref<112x128xf32, #tpu.memory_space<vmem>>
      tpu.enqueue_dma source(%dma_start3A_45 : memref<112x128xf32, #tpu.memory_space<vmem>>) target(%dma_start3A_42 : memref<112x128xf32, #tpu.memory_space<vmem_shared>>) target_semaphore(%run_scoped3A : memref<!tpu.dma_semaphore, #tpu.memory_space<semaphore_mem>>)
      %dma_wait3A = arith.constant 0 : i32
      %dma_wait3A_46 = arith.constant 0 : i32
      %dma_wait3A_47 = tpu.memref_slice %arg7[%dma_wait3A, %dma_wait3A_46] : memref<128x128xf32, #tpu.memory_space<vmem>> -> memref<112x128xf32, #tpu.memory_space<vmem>>
      %dma_wait3A_48 = arith.constant 0 : i32
      %dma_wait3A_49 = tpu.memref_slice %arg5[%add3A_17, %dma_wait3A_48] : memref<10016x128xf32, #tpu.memory_space<vmem_shared>> -> memref<112x128xf32, #tpu.memory_space<vmem_shared>>
      %dma_wait3A_50 = arith.constant 0 : i32
      %dma_wait3A_51 = tpu.memref_slice %arg5[%add3A_17, %dma_wait3A_50] : memref<10016x128xf32, #tpu.memory_space<vmem_shared>> -> memref<112x128xf32, #tpu.memory_space<vmem_shared>>
      %dma_wait3A_52 = arith.constant 0 : i32
      %dma_wait3A_53 = arith.constant 0 : i32
      %dma_wait3A_54 = tpu.memref_slice %arg7[%dma_wait3A_52, %dma_wait3A_53] : memref<128x128xf32, #tpu.memory_space<vmem>> -> memref<112x128xf32, #tpu.memory_space<vmem>>
      tpu.wait_dma2 semaphore(%run_scoped3A : memref<!tpu.dma_semaphore, #tpu.memory_space<semaphore_mem>>) src(%dma_wait3A_54 : memref<112x128xf32, #tpu.memory_space<vmem>>) dst(%dma_wait3A_51 : memref<112x128xf32, #tpu.memory_space<vmem_shared>>)
      tpu.yield
    }) : () -> ()
    %eq3A = arith.constant 15 : i32
    %eq3A_18 = arith.cmpi eq, %arg1, %eq3A : i32
    %convert_element_type3A = arith.extui %eq3A_18 : i1 to i32
    %cond3A = arith.constant 0 : i32
    %cond3A_19 = arith.cmpi ne, %convert_element_type3A, %cond3A : i32
    scf.if %cond3A_19 {
      "tpu.region"() ({
        %run_scoped3A = tpu.sem_alloc : memref<!tpu.dma_semaphore, #tpu.memory_space<semaphore_mem>>
        %dma_start3A = arith.constant 0 : i32
        %dma_start3A_37 = arith.constant 0 : i32
        %dma_start3A_38 = tpu.memref_slice %arg7[%dma_start3A, %dma_start3A_37] : memref<128x128xf32, #tpu.memory_space<vmem>> -> memref<32x128xf32, #tpu.memory_space<vmem>>
        %dma_start3A_39 = arith.constant 9984 : i32
        %dma_start3A_40 = arith.constant 0 : i32
        %dma_start3A_41 = tpu.memref_slice %arg5[%dma_start3A_39, %dma_start3A_40] : memref<10016x128xf32, #tpu.memory_space<vmem_shared>> -> memref<32x128xf32, #tpu.memory_space<vmem_shared>>
        %dma_start3A_42 = arith.constant 9984 : i32
        %dma_start3A_43 = arith.constant 0 : i32
        %dma_start3A_44 = tpu.memref_slice %arg5[%dma_start3A_42, %dma_start3A_43] : memref<10016x128xf32, #tpu.memory_space<vmem_shared>> -> memref<32x128xf32, #tpu.memory_space<vmem_shared>>
        %dma_start3A_45 = arith.constant 0 : i32
        %dma_start3A_46 = arith.constant 0 : i32
        %dma_start3A_47 = tpu.memref_slice %arg7[%dma_start3A_45, %dma_start3A_46] : memref<128x128xf32, #tpu.memory_space<vmem>> -> memref<32x128xf32, #tpu.memory_space<vmem>>
        tpu.enqueue_dma source(%dma_start3A_47 : memref<32x128xf32, #tpu.memory_space<vmem>>) target(%dma_start3A_44 : memref<32x128xf32, #tpu.memory_space<vmem_shared>>) target_semaphore(%run_scoped3A : memref<!tpu.dma_semaphore, #tpu.memory_space<semaphore_mem>>)
        %dma_wait3A = arith.constant 0 : i32
        %dma_wait3A_48 = arith.constant 0 : i32
        %dma_wait3A_49 = tpu.memref_slice %arg7[%dma_wait3A, %dma_wait3A_48] : memref<128x128xf32, #tpu.memory_space<vmem>> -> memref<32x128xf32, #tpu.memory_space<vmem>>
        %dma_wait3A_50 = arith.constant 9984 : i32
        %dma_wait3A_51 = arith.constant 0 : i32
        %dma_wait3A_52 = tpu.memref_slice %arg5[%dma_wait3A_50, %dma_wait3A_51] : memref<10016x128xf32, #tpu.memory_space<vmem_shared>> -> memref<32x128xf32, #tpu.memory_space<vmem_shared>>
        %dma_wait3A_53 = arith.constant 9984 : i32
        %dma_wait3A_54 = arith.constant 0 : i32
        %dma_wait3A_55 = tpu.memref_slice %arg5[%dma_wait3A_53, %dma_wait3A_54] : memref<10016x128xf32, #tpu.memory_space<vmem_shared>> -> memref<32x128xf32, #tpu.memory_space<vmem_shared>>
        %dma_wait3A_56 = arith.constant 0 : i32
        %dma_wait3A_57 = arith.constant 0 : i32
        %dma_wait3A_58 = tpu.memref_slice %arg7[%dma_wait3A_56, %dma_wait3A_57] : memref<128x128xf32, #tpu.memory_space<vmem>> -> memref<32x128xf32, #tpu.memory_space<vmem>>
        tpu.wait_dma2 semaphore(%run_scoped3A : memref<!tpu.dma_semaphore, #tpu.memory_space<semaphore_mem>>) src(%dma_wait3A_58 : memref<32x128xf32, #tpu.memory_space<vmem>>) dst(%dma_wait3A_55 : memref<32x128xf32, #tpu.memory_space<vmem_shared>>)
        tpu.yield
      }) : () -> ()
    } else {
    }
    %barrier3A = arith.constant 0 : index
    tpu.barrier barrier_id(%barrier3A)
    %mul3A_20 = arith.constant 79 : i32
    %mul3A_21 = arith.muli %add3A, %mul3A_20 : i32
    %scan3A_22 = arith.constant 0 : i32
    %scan3A_23 = arith.constant 0 : i32
    %scan3A_24 = arith.constant 79 : i32
    %scan3A_25 = arith.addi %scan3A_23, %scan3A_24 : i32
    %scan3A_26 = arith.constant 1 : i32
    scf.for %scan3A_37 = %scan3A_23 to %scan3A_25 step %scan3A_26  : i32 {
      %add3A_38 = arith.addi %mul3A_21, %scan3A_37 : i32
      "tpu.region"() ({
        %run_scoped3A_51 = tpu.sem_alloc : memref<!tpu.dma_semaphore, #tpu.memory_space<semaphore_mem>>
        %dma_start3A_52 = arith.constant 0 : i32
        %dma_start3A_53 = arith.constant 0 : i32
        %dma_start3A_54 = tpu.memref_slice %arg2[%add3A_38, %dma_start3A_52, %dma_start3A_53] : memref<2528x2x128xi32, #tpu.memory_space<hbm>> -> memref<1x2x128xi32, #tpu.memory_space<hbm>>
        %dma_start3A_55 = tpu.memref_squeeze %dma_start3A_54 : memref<1x2x128xi32, #tpu.memory_space<hbm>> -> memref<2x128xi32, #tpu.memory_space<hbm>>
        %dma_start3A_56 = arith.constant 0 : i32
        %dma_start3A_57 = arith.constant 0 : i32
        %dma_start3A_58 = tpu.memref_slice %arg2[%add3A_38, %dma_start3A_56, %dma_start3A_57] : memref<2528x2x128xi32, #tpu.memory_space<hbm>> -> memref<1x2x128xi32, #tpu.memory_space<hbm>>
        %dma_start3A_59 = tpu.memref_squeeze %dma_start3A_58 : memref<1x2x128xi32, #tpu.memory_space<hbm>> -> memref<2x128xi32, #tpu.memory_space<hbm>>
        tpu.enqueue_dma source(%dma_start3A_59 : memref<2x128xi32, #tpu.memory_space<hbm>>) target(%arg6 : memref<2x128xi32, #tpu.memory_space<vmem>>) target_semaphore(%run_scoped3A_51 : memref<!tpu.dma_semaphore, #tpu.memory_space<semaphore_mem>>)
        %dma_wait3A_60 = arith.constant 0 : i32
        %dma_wait3A_61 = arith.constant 0 : i32
        %dma_wait3A_62 = tpu.memref_slice %arg2[%add3A_38, %dma_wait3A_60, %dma_wait3A_61] : memref<2528x2x128xi32, #tpu.memory_space<hbm>> -> memref<1x2x128xi32, #tpu.memory_space<hbm>>
        %dma_wait3A_63 = tpu.memref_squeeze %dma_wait3A_62 : memref<1x2x128xi32, #tpu.memory_space<hbm>> -> memref<2x128xi32, #tpu.memory_space<hbm>>
        %dma_wait3A_64 = arith.constant 0 : i32
        %dma_wait3A_65 = arith.constant 0 : i32
        %dma_wait3A_66 = tpu.memref_slice %arg2[%add3A_38, %dma_wait3A_64, %dma_wait3A_65] : memref<2528x2x128xi32, #tpu.memory_space<hbm>> -> memref<1x2x128xi32, #tpu.memory_space<hbm>>
        %dma_wait3A_67 = tpu.memref_squeeze %dma_wait3A_66 : memref<1x2x128xi32, #tpu.memory_space<hbm>> -> memref<2x128xi32, #tpu.memory_space<hbm>>
        tpu.wait_dma2 semaphore(%run_scoped3A_51 : memref<!tpu.dma_semaphore, #tpu.memory_space<semaphore_mem>>) src(%dma_wait3A_67 : memref<2x128xi32, #tpu.memory_space<hbm>>) dst(%arg6 : memref<2x128xi32, #tpu.memory_space<vmem>>)
        tpu.yield
      }) : () -> ()
      %dma_start3A = arith.constant 0 : i32
      %dma_start3A_39 = arith.constant 0 : i32
      %dma_start3A_40 = tpu.memref_slice %arg6[%dma_start3A, %dma_start3A_39] : memref<2x128xi32, #tpu.memory_space<vmem>> -> memref<1x128xi32, #tpu.memory_space<vmem>>
      %dma_start3A_41 = tpu.memref_squeeze %dma_start3A_40 : memref<1x128xi32, #tpu.memory_space<vmem>> -> memref<128xi32, #tpu.memory_space<vmem>>
      %dma_start3A_42 = arith.constant 0 : i32
      %dma_start3A_43 = arith.constant 0 : i32
      %dma_start3A_44 = tpu.memref_slice %arg3[%dma_start3A_42, %dma_start3A_43] : memref<80000x128xf32, #tpu.memory_space<hbm>> -> memref<80000x128xf32, #tpu.memory_space<hbm>>
      tpu.enqueue_indirect_dma source(%dma_start3A_44 : memref<80000x128xf32, #tpu.memory_space<hbm>>) target(%arg7 : memref<128x128xf32, #tpu.memory_space<vmem>>) offsets(%dma_start3A_41 : memref<128xi32, #tpu.memory_space<vmem>>) semaphore(%arg8 : memref<!tpu.dma_semaphore, #tpu.memory_space<semaphore_mem>>)
      %dma_wait3A = arith.constant 0 : i32
      %dma_wait3A_45 = arith.constant 0 : i32
      %dma_wait3A_46 = tpu.memref_slice %arg6[%dma_wait3A, %dma_wait3A_45] : memref<2x128xi32, #tpu.memory_space<vmem>> -> memref<1x128xi32, #tpu.memory_space<vmem>>
      %dma_wait3A_47 = tpu.memref_squeeze %dma_wait3A_46 : memref<1x128xi32, #tpu.memory_space<vmem>> -> memref<128xi32, #tpu.memory_space<vmem>>
      %dma_wait3A_48 = arith.constant 0 : i32
      %dma_wait3A_49 = arith.constant 0 : i32
      %dma_wait3A_50 = tpu.memref_slice %arg3[%dma_wait3A_48, %dma_wait3A_49] : memref<80000x128xf32, #tpu.memory_space<hbm>> -> memref<80000x128xf32, #tpu.memory_space<hbm>>
      tpu.wait_indirect_dma semaphore(%arg8 : memref<!tpu.dma_semaphore, #tpu.memory_space<semaphore_mem>>) src(%dma_wait3A_50 : memref<80000x128xf32, #tpu.memory_space<hbm>>) dst(%arg7 : memref<128x128xf32, #tpu.memory_space<vmem>>)
      %run_scoped3A = arith.constant 1 : i32
      "tpu.region"() ({
        %run_scoped3A_51 = tpu.sem_alloc : memref<!tpu.dma_semaphore, #tpu.memory_space<semaphore_mem>>
        %dma_start3A_52 = arith.constant 0 : i32
        %dma_start3A_53 = tpu.memref_slice %arg6[%run_scoped3A, %dma_start3A_52] : memref<2x128xi32, #tpu.memory_space<vmem>> -> memref<1x128xi32, #tpu.memory_space<vmem>>
        %dma_start3A_54 = tpu.memref_squeeze %dma_start3A_53 : memref<1x128xi32, #tpu.memory_space<vmem>> -> memref<128xi32, #tpu.memory_space<vmem>>
        %dma_start3A_55 = arith.constant 0 : i32
        %dma_start3A_56 = arith.constant 0 : i32
        %dma_start3A_57 = tpu.memref_slice %arg5[%dma_start3A_55, %dma_start3A_56] : memref<10016x128xf32, #tpu.memory_space<vmem_shared>> -> memref<10016x128xf32, #tpu.memory_space<vmem_shared>>
        tpu.enqueue_indirect_dma source(%arg7 : memref<128x128xf32, #tpu.memory_space<vmem>>) target(%dma_start3A_57 : memref<10016x128xf32, #tpu.memory_space<vmem_shared>>) offsets(%dma_start3A_54 : memref<128xi32, #tpu.memory_space<vmem>>) semaphore(%run_scoped3A_51 : memref<!tpu.dma_semaphore, #tpu.memory_space<semaphore_mem>>) {add = true}
        %dma_wait3A_58 = arith.constant 0 : i32
        %dma_wait3A_59 = tpu.memref_slice %arg6[%run_scoped3A, %dma_wait3A_58] : memref<2x128xi32, #tpu.memory_space<vmem>> -> memref<1x128xi32, #tpu.memory_space<vmem>>
        %dma_wait3A_60 = tpu.memref_squeeze %dma_wait3A_59 : memref<1x128xi32, #tpu.memory_space<vmem>> -> memref<128xi32, #tpu.memory_space<vmem>>
        %dma_wait3A_61 = arith.constant 0 : i32
        %dma_wait3A_62 = arith.constant 0 : i32
        %dma_wait3A_63 = tpu.memref_slice %arg5[%dma_wait3A_61, %dma_wait3A_62] : memref<10016x128xf32, #tpu.memory_space<vmem_shared>> -> memref<10016x128xf32, #tpu.memory_space<vmem_shared>>
        tpu.wait_indirect_dma semaphore(%run_scoped3A_51 : memref<!tpu.dma_semaphore, #tpu.memory_space<semaphore_mem>>) src(%arg7 : memref<128x128xf32, #tpu.memory_space<vmem>>) dst(%dma_wait3A_63 : memref<10016x128xf32, #tpu.memory_space<vmem_shared>>)
        tpu.yield
      }) : () -> ()
    }
    %scan3A_27 = arith.constant 79 : i32
    %barrier3A_28 = arith.constant 0 : index
    tpu.barrier barrier_id(%barrier3A_28)
    %mul3A_29 = arith.constant 624 : i32
    %mul3A_30 = arith.muli %arg1, %mul3A_29 : i32
    %multiple_of3A_31 = tpu.assume_multiple %mul3A_30, 8 : i32
    "tpu.region"() ({
      %run_scoped3A = tpu.sem_alloc : memref<!tpu.dma_semaphore, #tpu.memory_space<semaphore_mem>>
      %dma_start3A = arith.constant 0 : i32
      %dma_start3A_37 = tpu.memref_slice %arg4[%arg0, %multiple_of3A_31, %dma_start3A] : memref<2x10000x128xf32, #tpu.memory_space<hbm>> -> memref<1x624x128xf32, #tpu.memory_space<hbm>>
      %dma_start3A_38 = tpu.memref_squeeze %dma_start3A_37 : memref<1x624x128xf32, #tpu.memory_space<hbm>> -> memref<624x128xf32, #tpu.memory_space<hbm>>
      %dma_start3A_39 = arith.constant 0 : i32
      %dma_start3A_40 = tpu.memref_slice %arg5[%multiple_of3A_31, %dma_start3A_39] : memref<10016x128xf32, #tpu.memory_space<vmem_shared>> -> memref<624x128xf32, #tpu.memory_space<vmem_shared>>
      tpu.enqueue_dma source(%dma_start3A_40 : memref<624x128xf32, #tpu.memory_space<vmem_shared>>) target(%dma_start3A_38 : memref<624x128xf32, #tpu.memory_space<hbm>>) target_semaphore(%run_scoped3A : memref<!tpu.dma_semaphore, #tpu.memory_space<semaphore_mem>>)
      %dma_wait3A = arith.constant 0 : i32
      %dma_wait3A_41 = tpu.memref_slice %arg4[%arg0, %multiple_of3A_31, %dma_wait3A] : memref<2x10000x128xf32, #tpu.memory_space<hbm>> -> memref<1x624x128xf32, #tpu.memory_space<hbm>>
      %dma_wait3A_42 = tpu.memref_squeeze %dma_wait3A_41 : memref<1x624x128xf32, #tpu.memory_space<hbm>> -> memref<624x128xf32, #tpu.memory_space<hbm>>
      %dma_wait3A_43 = arith.constant 0 : i32
      %dma_wait3A_44 = tpu.memref_slice %arg5[%multiple_of3A_31, %dma_wait3A_43] : memref<10016x128xf32, #tpu.memory_space<vmem_shared>> -> memref<624x128xf32, #tpu.memory_space<vmem_shared>>
      tpu.wait_dma2 semaphore(%run_scoped3A : memref<!tpu.dma_semaphore, #tpu.memory_space<semaphore_mem>>) src(%dma_wait3A_44 : memref<624x128xf32, #tpu.memory_space<vmem_shared>>) dst(%dma_wait3A_42 : memref<624x128xf32, #tpu.memory_space<hbm>>)
      tpu.yield
    }) : () -> ()
    %eq3A_32 = arith.constant 15 : i32
    %eq3A_33 = arith.cmpi eq, %arg1, %eq3A_32 : i32
    %convert_element_type3A_34 = arith.extui %eq3A_33 : i1 to i32
    %cond3A_35 = arith.constant 0 : i32
    %cond3A_36 = arith.cmpi ne, %convert_element_type3A_34, %cond3A_35 : i32
    scf.if %cond3A_36 {
      "tpu.region"() ({
        %run_scoped3A = tpu.sem_alloc : memref<!tpu.dma_semaphore, #tpu.memory_space<semaphore_mem>>
        %dma_start3A = arith.constant 9984 : i32
        %dma_start3A_37 = arith.constant 0 : i32
        %dma_start3A_38 = tpu.memref_slice %arg4[%arg0, %dma_start3A, %dma_start3A_37] : memref<2x10000x128xf32, #tpu.memory_space<hbm>> -> memref<1x16x128xf32, #tpu.memory_space<hbm>>
        %dma_start3A_39 = tpu.memref_squeeze %dma_start3A_38 : memref<1x16x128xf32, #tpu.memory_space<hbm>> -> memref<16x128xf32, #tpu.memory_space<hbm>>
        %dma_start3A_40 = arith.constant 9984 : i32
        %dma_start3A_41 = arith.constant 0 : i32
        %dma_start3A_42 = tpu.memref_slice %arg5[%dma_start3A_40, %dma_start3A_41] : memref<10016x128xf32, #tpu.memory_space<vmem_shared>> -> memref<16x128xf32, #tpu.memory_space<vmem_shared>>
        tpu.enqueue_dma source(%dma_start3A_42 : memref<16x128xf32, #tpu.memory_space<vmem_shared>>) target(%dma_start3A_39 : memref<16x128xf32, #tpu.memory_space<hbm>>) target_semaphore(%run_scoped3A : memref<!tpu.dma_semaphore, #tpu.memory_space<semaphore_mem>>)
        %dma_wait3A = arith.constant 9984 : i32
        %dma_wait3A_43 = arith.constant 0 : i32
        %dma_wait3A_44 = tpu.memref_slice %arg4[%arg0, %dma_wait3A, %dma_wait3A_43] : memref<2x10000x128xf32, #tpu.memory_space<hbm>> -> memref<1x16x128xf32, #tpu.memory_space<hbm>>
        %dma_wait3A_45 = tpu.memref_squeeze %dma_wait3A_44 : memref<1x16x128xf32, #tpu.memory_space<hbm>> -> memref<16x128xf32, #tpu.memory_space<hbm>>
        %dma_wait3A_46 = arith.constant 9984 : i32
        %dma_wait3A_47 = arith.constant 0 : i32
        %dma_wait3A_48 = tpu.memref_slice %arg5[%dma_wait3A_46, %dma_wait3A_47] : memref<10016x128xf32, #tpu.memory_space<vmem_shared>> -> memref<16x128xf32, #tpu.memory_space<vmem_shared>>
        tpu.wait_dma2 semaphore(%run_scoped3A : memref<!tpu.dma_semaphore, #tpu.memory_space<semaphore_mem>>) src(%dma_wait3A_48 : memref<16x128xf32, #tpu.memory_space<vmem_shared>>) dst(%dma_wait3A_45 : memref<16x128xf32, #tpu.memory_space<hbm>>)
        tpu.yield
      }) : () -> ()
    } else {
    }
    return
  }
}

module attributes {stable_mosaic.version = 14 : i64} {
  func.func @_mm_body(%arg0: i32, %arg1: i32, %arg2: memref<1000x128xf32, #tpu.memory_space<vmem>>, %arg3: memref<1x128x128xf32, #tpu.memory_space<vmem>>, %arg4: memref<1x128xf32, #tpu.memory_space<vmem>>, %arg5: memref<1x1000x128xf32, #tpu.memory_space<vmem>>) attributes {dimension_semantics = [#tpu.dimension_semantics<arbitrary>, #tpu.dimension_semantics<arbitrary>], iteration_bounds = array<i64: 8, 10>, scalar_prefetch = 0 : i64, scratch_operands = 0 : i64, tpu.core_type = #tpu.core_type<tc>, window_params = [{transform_indices = @transform_0, window_bounds = array<i64: 1000, 128>}, {transform_indices = @transform_1, window_bounds = array<i64: 1, 128, 128>}, {pipeline_mode = #tpu.pipeline_mode<synchronous>, transform_indices = @transform_2, window_bounds = array<i64: 1, 128>}, {transform_indices = @transform_3, window_bounds = array<i64: 1, 1000, 128>}]} {
    %get3A = arith.constant 0 : index
    %get3A_0 = arith.constant 0 : index
    %get3A_1 = vector.load %arg2[%get3A, %get3A_0] : memref<1000x128xf32, #tpu.memory_space<vmem>>, vector<1000x128xf32>
    %get3A_2 = arith.constant 0 : index
    %get3A_3 = arith.constant 0 : index
    %get3A_4 = arith.constant 0 : index
    %get3A_5 = vector.load %arg3[%get3A_2, %get3A_3, %get3A_4] : memref<1x128x128xf32, #tpu.memory_space<vmem>>, vector<1x128x128xf32>
    %get3A_6 = vector.shape_cast %get3A_5 : vector<1x128x128xf32> to vector<128x128xf32>
    %dot_general3A = arith.constant dense<0.000000e+00> : vector<1000x128xf32>
    %dot_general3A_7 = tpu.matmul %get3A_1, %get3A_6, %dot_general3A {dimension_numbers = #tpu.dot_dimension_numbers<[1], [0], [0], [1], [0, 0, 1, 1], [], []>, transpose_lhs_hint = false} : vector<1000x128xf32>, vector<128x128xf32>, vector<1000x128xf32> -> vector<1000x128xf32>
    %get3A_8 = arith.constant 0 : index
    %get3A_9 = arith.constant 0 : index
    %get3A_10 = vector.load %arg4[%get3A_8, %get3A_9] : memref<1x128xf32, #tpu.memory_space<vmem>>, vector<1x128xf32>
    %get3A_11 = vector.shape_cast %get3A_10 : vector<1x128xf32> to vector<128xf32>
    %broadcast_in_dim3A = vector.shape_cast %get3A_11 : vector<128xf32> to vector<1x128xf32>
    %add3A = vector.broadcast %broadcast_in_dim3A : vector<1x128xf32> to vector<1000x128xf32>
    %add3A_12 = arith.addf %dot_general3A_7, %add3A : vector<1000x128xf32>
    %max3A = arith.constant 0.000000e+00 : f32
    %max3A_13 = vector.broadcast %max3A : f32 to vector<1000x128xf32>
    %max3A_14 = arith.maximumf %add3A_12, %max3A_13 : vector<1000x128xf32>
    %swap3A = arith.constant 0 : index
    %swap3A_15 = arith.constant 0 : index
    %swap3A_16 = arith.constant 0 : index
    %swap3A_17 = vector.load %arg5[%swap3A, %swap3A_15, %swap3A_16] : memref<1x1000x128xf32, #tpu.memory_space<vmem>>, vector<1x1000x128xf32>
    %swap3A_18 = vector.shape_cast %swap3A_17 : vector<1x1000x128xf32> to vector<1000x128xf32>
    %swap3A_19 = vector.shape_cast %max3A_14 : vector<1000x128xf32> to vector<1x1000x128xf32>
    tpu.vector_store %arg5[%swap3A, %swap3A_15, %swap3A_16], %swap3A_19 {strides = array<i32>} : memref<1x1000x128xf32, #tpu.memory_space<vmem>>, vector<1x1000x128xf32>,
    return
  }
  func.func @transform_0(%arg0: i32, %arg1: i32) -> (i32, i32) {
    %c0_i32 = arith.constant 0 : i32
    %c0_i32_0 = arith.constant 0 : i32
    return %arg1, %c0_i32 : i32, i32
  }
  func.func @transform_1(%arg0: i32, %arg1: i32) -> (i32, i32, i32) {
    %c0_i32 = arith.constant 0 : i32
    %c0_i32_0 = arith.constant 0 : i32
    %c0_i32_1 = arith.constant 0 : i32
    return %arg0, %c0_i32, %c0_i32_0 : i32, i32, i32
  }
  func.func @transform_2(%arg0: i32, %arg1: i32) -> (i32, i32) {
    %c0_i32 = arith.constant 0 : i32
    %c0_i32_0 = arith.constant 0 : i32
    %c0_i32_1 = arith.constant 0 : i32
    return %c0_i32, %c0_i32_0 : i32, i32
  }
  func.func @transform_3(%arg0: i32, %arg1: i32) -> (i32, i32, i32) {
    %c0_i32 = arith.constant 0 : i32
    %c0_i32_0 = arith.constant 0 : i32
    return %arg0, %arg1, %c0_i32 : i32, i32, i32
  }
}

module attributes {stable_mosaic.version = 14 : i64} {
  func.func @_combine_body(%arg0: i32, %arg1: memref<2x1000x128xf32, #tpu.memory_space<vmem>>, %arg2: memref<1000x128xf32, #tpu.memory_space<vmem>>) attributes {dimension_semantics = [#tpu.dimension_semantics<arbitrary>], iteration_bounds = array<i64: 10>, scalar_prefetch = 0 : i64, scratch_operands = 0 : i64, tpu.core_type = #tpu.core_type<tc>, window_params = [{transform_indices = @transform_0, window_bounds = array<i64: 2, 1000, 128>}, {transform_indices = @transform_1, window_bounds = array<i64: 1000, 128>}]} {
    %get3A = arith.constant 0 : index
    %get3A_0 = arith.constant 0 : index
    %get3A_1 = arith.constant 0 : index
    %get3A_2 = vector.load %arg1[%get3A, %get3A_0, %get3A_1] : memref<2x1000x128xf32, #tpu.memory_space<vmem>>, vector<1x1000x128xf32>
    %get3A_3 = vector.shape_cast %get3A_2 : vector<1x1000x128xf32> to vector<1000x128xf32>
    %get3A_4 = arith.constant 1 : index
    %get3A_5 = arith.constant 0 : index
    %get3A_6 = arith.constant 0 : index
    %get3A_7 = vector.load %arg1[%get3A_4, %get3A_5, %get3A_6] : memref<2x1000x128xf32, #tpu.memory_space<vmem>>, vector<1x1000x128xf32>
    %get3A_8 = vector.shape_cast %get3A_7 : vector<1x1000x128xf32> to vector<1000x128xf32>
    %add3A = arith.addf %get3A_3, %get3A_8 : vector<1000x128xf32>
    %swap3A = arith.constant 0 : index
    %swap3A_9 = arith.constant 0 : index
    %swap3A_10 = vector.load %arg2[%swap3A, %swap3A_9] : memref<1000x128xf32, #tpu.memory_space<vmem>>, vector<1000x128xf32>
    tpu.vector_store %arg2[%swap3A, %swap3A_9], %add3A {strides = array<i32>} : memref<1000x128xf32, #tpu.memory_space<vmem>>, vector<1000x128xf32>,
    return
  }
  func.func @transform_0(%arg0: i32) -> (i32, i32, i32) {
    %c0_i32 = arith.constant 0 : i32
    %c0_i32_0 = arith.constant 0 : i32
    %c0_i32_1 = arith.constant 0 : i32
    return %c0_i32, %arg0, %c0_i32_0 : i32, i32, i32
  }
  func.func @transform_1(%arg0: i32) -> (i32, i32) {
    %c0_i32 = arith.constant 0 : i32
    %c0_i32_0 = arith.constant 0 : i32
    return %arg0, %c0_i32 : i32, i32
  }
}

</mosaic_0001>

<sc_bundles>
// kernel: kernel.5.cloned.1.call-start
scs
__scs_entry_jumppad:
0x0: {  	(pc) =	sbr.rel $0x88, $3  }
0x1: {  	(tag) =	ssettag $0x0;
	lr =	simm.s32 $0x1  }
0x2: {  	[smem:$0x3F9C] =	sst lr;
	_ =	strace $0xD0000000  }
0x3: {  	_ = 	snop  }
0x4: {  	_ = 	snop  }
0x5: {  	_ = 	snop  }
0x6: {  	_ = 	snop  }
0x7: {  	_ = 	snop  }
__scs_overlays_trampoline_lowered:
0x8: {  	[smem:$0x3FAB] =	sst s0  }
0x9: {  	[smem:$0x3FAC] =	sst s1  }
0xa: {  	[smem:$0x3FAD] =	sst s2  }
0xb: {  	[smem:$0x3FAE] =	sst s3  }
0xc: {  	[smem:$0x3FAF] =	sst s4  }
0xd: {  	[smem:$0x3FB0] =	sst s5  }
0xe: {  	[smem:$0x3FB1] =	sst s6  }
0xf: {  	[smem:$0x3FB2] =	sst s7  }
0x10: {  	[smem:$0x3FB3] =	sst s8  }
0x11: {  	[smem:$0x3FB4] =	sst s9;
	s0 =	simm.s32 @!p0 $0x0  }
0x12: {  	s1 =	sld [smem:$0x3F9A];
	s0 =	simm.s32 @p0 $0x1  }
0x13: {  	[smem:$0x3FB5] =	sst s0;
	s0 =	simm.s32 @!p1 $0x0  }
0x14: {  	s2 =	sld [smem:$0x3F99];
	s0 =	simm.s32 @p1 $0x1  }
0x15: {  	[smem:$0x3FB6] =	sst s0;
	s0 =	simm.s32 @!p2 $0x0  }
0x16: {  	s3 =	sld [smem:$0x3FDB];
	s0 =	simm.s32 @p2 $0x1  }
0x17: {  	s4 =	simm.s32 $0x1BF5;
	[smem:$0x3FB8] =	sst s0  }
0x18: {  	s0 =	sld [smem:$0x3F9B];
	_ =	swait.ge [sflag:s4], $0x0  }
0x19: {  	s7 =	sld [smem:$0x3F9C]  }
0x1a: {  	s8 =	sadd.s32 $0xFFFFE003, lr  }
0x1b: {  	s9 =	sadd.s32 $0xFFFFFEF7, lr;
	s5 =	simm.s32 $0xFFFFFFFF;
	p2 =	slt.u32 s8, $0xFFFFF086  }
0x1c: {  	p1 =	slt.u32 s9, $0xF7A;
	s5 =	simm.s32 @!p2 $0x0  }
0x1d: {  	s5 =	simm.s32 @p1 $0x1;
	p0 =	seq.s32 s7, s2  }
0x1e: {  	s7 =	smul.u32 @!p0 $0xF7A, s2;
	p2 =	seq.s32 @!p0 s5, $0x0  }
0x1f: {  	s9 =	smul.u32 $0xF7A, s1;
	s8 =	simm.s32 @!p0 $0x1BF5;
	p2 =	por !p2, p0  }
0x20: {  	[sflag:s8] =	ssyncset.s32 @!p0 $0xFFFFF086;
	s6 =	sadd.s32 @!p0 s3, s7;
	s7 =	simm.s32 @!p0 $0x108  }
0x21: {  	s3 =	sadd.s32 s3, s9;
	s6 =	sadd.s32 @!p0 $0x88, s6;
	s7 =	simm.s32 @p2 $0x1082  }
0x22: {  	[simem:s7], [sflag:s8] =	dma.local @!p0 [hbm:s6], $0xF7A  }
0x23: {  	s9 =	sor.u32 $0xD0000000, s2;
	s6 =	simm.s32 $0x108;
	_ =	swait.ge @!p0 [sflag:s8], $0x0  }
0x24: {  	s3 =	sadd.s32 $0x88, s3;
	s6 =	simm.s32 @!p1 $0x1082;
	[sflag:s4] =	ssyncset.s32 $0xFFFFF086  }
0x25: {  	[simem:s6], [sflag:s4] =	dma.local [hbm:s3], $0xF7A  }
0x26: {  	[smem:$0x3F9C] =	sst s1;
	(tag) =	ssettag s2;
	_ =	strace s9  }
0x27: {  	s1 =	sld [smem:$0x3FAC]  }
0x28: {  	s2 =	sld [smem:$0x3FAD]  }
0x29: {  	s4 =	sld [smem:$0x3FAF]  }
0x2a: {  	p0 =	seq.s32 s5, $0x0;
	s5 =	sld [smem:$0x3FB0]  }
0x2b: {  	s6 =	sld [smem:$0x3FB1]  }
0x2c: {  	s7 =	sld [smem:$0x3FB2]  }
0x2d: {  	s3 =	simm.s32 $0x108;
	s8 =	sld [smem:$0x3FB3]  }
0x2e: {  	s3 =	simm.s32 @!p0 $0x1082;
	s9 =	sld [smem:$0x3FB4]  }
0x2f: {  	lr =	sadd.s32 s0, s3;
	s0 =	sld [smem:$0x3FAB]  }
0x30: {  	s3 =	sld [smem:$0x3FAE]  }
0x31: {  	[smem:$0x3FB7] =	sst s10  }
0x32: {  	s10 =	sld [smem:$0x3FB5];
	_ =	sdelay $0x3  }
0x33: {  	p0 =	seq.s32 s10, $0x1;
	s10 =	sld [smem:$0x3FB7];
	_ =	sdelay $0x3  }
0x34: {  	[smem:$0x3FB7] =	sst s10  }
0x35: {  	s10 =	sld [smem:$0x3FB6];
	_ =	sdelay $0x3  }
0x36: {  	p1 =	seq.s32 s10, $0x1;
	s10 =	sld [smem:$0x3FB7];
	_ =	sdelay $0x3  }
0x37: {  	[smem:$0x3FB7] =	sst s10  }
0x38: {  	s10 =	sld [smem:$0x3FB8]  }
0x39: {  	_ = 	snop;
	(pc) =	sbr.ind lr, $3  }
0x3a: {  	_ = 	snop  }
0x3b: {  	_ = 	snop  }
0x3c: {  	p2 =	seq.s32 s10, $0x1;
	s10 =	sld [smem:$0x3FB7]  }
0x3d: {  	_ =	shalt  }
0x3e: {  	_ =	shalt  }
0x3f: {  	_ =	shalt  }
0x40: {  	_ =	shalt  }
0x41: {  	_ =	shalt  }
0x42: {  	_ =	shalt  }
0x43: {  	_ =	shalt  }
0x44: {  	_ =	shalt  }
0x45: {  	_ =	shalt  }
0x46: {  	_ =	shalt  }
0x47: {  	_ =	shalt  }
0x48: {  	_ =	shalt  }
0x49: {  	_ =	shalt  }
0x4a: {  	_ =	shalt  }
0x4b: {  	_ =	shalt  }
0x4c: {  	_ =	shalt  }
0x4d: {  	_ =	shalt  }
0x4e: {  	_ =	shalt  }
0x4f: {  	_ =	shalt  }
0x50: {  	_ =	shalt  }
0x51: {  	_ =	shalt  }
0x52: {  	_ =	shalt  }
0x53: {  	_ =	shalt  }
0x54: {  	_ =	shalt  }
0x55: {  	_ =	shalt  }
0x56: {  	_ =	shalt  }
0x57: {  	_ =	shalt  }
0x58: {  	_ =	shalt  }
0x59: {  	_ =	shalt  }
0x5a: {  	_ =	shalt  }
0x5b: {  	_ =	shalt  }
0x5c: {  	_ =	shalt  }
0x5d: {  	_ =	shalt  }
0x5e: {  	_ =	shalt  }
0x5f: {  	_ =	shalt  }
0x60: {  	_ =	shalt  }
0x61: {  	_ =	shalt  }
0x62: {  	_ =	shalt  }
0x63: {  	_ =	shalt  }
0x64: {  	_ =	shalt  }
0x65: {  	_ =	shalt  }
0x66: {  	_ =	shalt  }
0x67: {  	_ =	shalt  }
0x68: {  	_ =	shalt  }
0x69: {  	_ =	shalt  }
0x6a: {  	_ =	shalt  }
0x6b: {  	_ =	shalt  }
0x6c: {  	_ =	shalt  }
0x6d: {  	_ =	shalt  }
0x6e: {  	_ =	shalt  }
0x6f: {  	_ =	shalt  }
0x70: {  	_ =	shalt  }
0x71: {  	_ =	shalt  }
0x72: {  	_ =	shalt  }
0x73: {  	_ =	shalt  }
0x74: {  	_ =	shalt  }
0x75: {  	_ =	shalt  }
0x76: {  	_ =	shalt  }
0x77: {  	_ =	shalt  }
0x78: {  	_ =	shalt  }
0x79: {  	_ =	shalt  }
0x7a: {  	_ =	shalt  }
0x7b: {  	_ =	shalt  }
0x7c: {  	_ =	shalt  }
0x7d: {  	_ =	shalt  }
0x7e: {  	_ =	shalt  }
0x7f: {  	_ =	shalt  }
0x80: {  	_ =	shalt  }
0x81: {  	_ =	shalt  }
0x82: {  	_ =	shalt  }
0x83: {  	_ =	shalt  }
0x84: {  	_ =	shalt  }
0x85: {  	_ =	shalt  }
0x86: {  	_ =	shalt  }
0x87: {  	_ =	shalt  }
.Lfunc_end0:
.L_simem_size_0:
called_computation_lowered:
.L_overlay_start_0:
0x88: {  	s2 =	sld [smem:$0x3FD9]  }
0x89: {  	s3 =	sld [smem:$0x3FFE];
	_ =	sdelay $0x1  }
0x8a: {  	s1 =	srdreg.scid  }
0x8b: {  	s0 =	sand.u32 $0x1, s1  }
0x8c: {  	s17 =	sshll.u32 s0, $0xA;
	s2 =	sadd.s32 s3, s2  }
0x8d: {  	s2 =	sadd.s32 s2, s17  }
0x8e: {  	[smem:$0x3FC3] =	sst s2  }
0x8f: {  	_ = 	snop  }
0x90: {  	s2 =	sld [smem:$0x3FD0];
	(tm) =	ssettm $0x1  }
0x91: {  	s18 =	sld [smem:$0x3FFB];
	_ =	sdelay $0x3  }
0x92: {  	_ =	strace s18  }
0x93: {  	s3 =	sld [smem:$0x3FFC];
	_ =	sdelay $0x3  }
0x94: {  	_ =	strace s3  }
0x95: {  	s3 =	sld [smem:$0x3FFD];
	_ =	sdelay $0x3  }
0x96: {  	_ =	strace s3  }
0x97: {  	_ =	strace $0x8FFFFFFF  }
0x98: {  	s19 =	sld [smem:$0x3FDB];
	_ =	sdelay $0x1  }
0x99: {  	s4 =	simm.s32 $_scs_section_size  }
0x9a: {  	s5 =	simm.s32 $_size__tile_overlayer_lowered;
	s6 =	simm.s32 $_tile_overlayer_lowered  }
0x9b: {  	s22 =	simm.s32 $0x1BFF;
	s21 =	sshll.u32 s6, $0x1;
	s3 =	sadd.s32 s4, s19  }
0x9c: {  	s7 =	simm.s32 $0x0;
	s20 =	sshll.u32 s5, $0x1;
	s5 =	sadd.s32 s21, s3  }
0x9d: {  	[timem:s7], [sflag:s22] =	dma.local [hbm:s5], s20  }
0x9e: {  	_ =	swait.ge [sflag:s22], s20  }
0x9f: {  	s4 =	ssub.s32 $0x0, s20;
	[sflag:s22] =	ssyncset.done $0x0  }
0xa0: {  	[sflag:s22] =	ssyncadd.s32 s4;
	_ =	sdelay $0x1  }
0xa1: {  	s23 =	simm.s32 $0x1B8B  }
0xa2: {  	_ =	swait.ge [sflag:s23], $0x1  }
0xa3: {  	[sflag:s23] =	ssyncset.done $0x0  }
0xa4: {  	s25 =	simm.s32 $0x1B8E;
	s24 =	sld [smem:$0x3FFE];
	[sflag:s23] =	ssyncadd.s32 $0xFFFFFFFF  }
0xa5: {  	s26 =	simm.s32 $execute0_lowered;
	[smem:$0x3FD2] =	sst s25  }
0xa6: {  	s5 =	sshll.u32 s26, $0x1;
	_ =	strace $0x80000046;
	[dreg:$0x1] =	wrdreg $0xFFFFFFFF  }
0xa7: {  	s28 =	simm.s32 $_size_execute0_lowered;
	s3 =	sadd.s32 s3, s5;
	[dreg:$0x0] =	wrdreg $0x0  }
0xa8: {  	s5 =	sshll.u32 s28, $0x1;
	[dreg:$0x2] =	wrdreg s3  }
0xa9: {  	[dreg:$0x3] =	wrdreg s5  }
0xaa: {  	[dreg:$0x4] =	wrdreg $0xC0  }
0xab: {  	_ =	task [dreg:s7], $0x5FFFF  }
0xac: {  	[dreg:$0x1] =	wrdreg $0xFFFFFFFF  }
0xad: {  	[dreg:$0x0] =	wrdreg $0x60  }
0xae: {  	[dreg:$0x2] =	wrdreg s2  }
0xaf: {  	[dreg:$0x3] =	wrdreg s24  }
0xb0: {  	[dreg:$0x4] =	wrdreg $0x0  }
0xb1: {  	[dreg:$0x5] =	wrdreg $0x9  }
0xb2: {  	_ =	task.clear_ibuf [dreg:s7], $0x6FFFF;
	_ =	strace $0x90000046  }
0xb3: {  	s29 =	simm.s32 $0x9;
	_ =	strace $0x80000048  }
0xb4: {  	_ =	swait.ge [sflag:s29], $0x1  }
0xb5: {  	[sflag:s29] =	ssyncadd.s32 $0xFFFFFFFF  }
0xb6: {  	_ =	strace $0x90000048  }
0xb7: {  	_ =	sfence  }
0xb8: {  	s30 =	sld [smem:$0x0];
	_ =	sdelay $0x2  }
0xb9: {  	s31 =	sshll.u32 s1, $0xD;
	s1 =	sshrl.u32 s1, $0x2  }
0xba: {  	s3 =	sand.u32 $0x4000, s31;
	s1 =	sadd.s32 s1, s30  }
0xbb: {  	s0 =	sor.u32 s3, s0;
	s1 =	sshll.u32 s1, $0x11  }
0xbc: {  	s0 =	sor.u32 s1, s0  }
0xbd: {  	s0 =	sadd.s32 $0x8F2B, s0  }
0xbe: {  	[sflag:s0] =	ssyncadd.remote.s32 $0x1  }
0xbf: {  	_ =	sfence.sel $0xFFFF  }
0xc0: {  	[dreg:$0x0] =	wrdreg $0xFFFFFFFF;
	(pc) =	sbr.abs _section_cstart, $3  }
0xc1: {  	[dreg:$0x1] =	wrdreg $0xFFFFFFFF  }
0xc2: {  	_ =	task.clear_ibuf [dreg:s7], $0x2FFFF;
	_ =	strace $0x9FFFFFFF  }
0xc3: {  	(tm) =	ssettm $0x7FFFFFFF  }
tec
execute0_lowered:
.L_overlay_start_1:
0x0: {  	(tag) =	ssettag $0x1  }
0x1: {  	s14 =	rddreg [dreg:$0x0]  }
0x2: {  	s5 =	rddreg [dreg:$0x1]  }
0x3: {  	s1 =	rddreg [dreg:$0x2]  }
0x4: {  	s0 =	rddreg [dreg:$0x3];
	s3 =	simm.s32 $0x0  }
0x5: {  	s4 =	srdreg.scid;
	s2 =	stileid.u32;
	s19 =	simm.s32 $0x1  }
0x6: {  	s20 =	simm.s32 $0x13980;
	s21 =	simm.s32 $0x0;
	s6 =	smul.u32 $0x4E000, s2  }
0x7: {  	[smem:$0x7FF] =	sst s3;
	s12 =	sand.u32 $0x1, s4;
	s16 =	smul.u32 $0x13800, s2  }
0x8: {  	s4 =	sadd.s32 $0xC00, s5;
	s13 =	sadd.s32 $0x139400, s5;
	s18 =	smul.u32 $0x13C0, s2  }
0x9: {  	s10 =	sadd.s32 $0x138000, s1;
	p0 =	sne.s32 s2, $0xF;
	s11 =	smul.u32 $0x138800, s12  }
0xa: {  	_ =	strace $0x80000047;
	s30 =	ssub.s32 $0x2, s12;
	s31 =	smul.u32 $0x9E0, s12  }
0xb: {  	s7 =	sshrl.u32 s30, $0x1;
	s6 =	sshrl.u32 s6, $0x2;
	s14 =	sadd.s32 s18, s14  }
0xc: {  	s18 =	simm.s32 $0x80;
	s15 =	ssub.s32 s30, s7;
	s5 =	sadd.s32 s6, s1  }
0xd: {  	s16 =	sadd.s32 s16, s11;
	s17 =	sshrl.u32 s11, $0x3;
	s14 =	sadd.s32 s31, s14  }
0xe: {  	s6 =	sadd.s32 $0x4000, s5;
	s7 =	sadd.s32 $0x8000, s5;
	s16 =	sshrl.u32 s16, $0x3  }
0xf: {  	s8 =	sadd.s32 $0xC000, s5;
	s9 =	sadd.s32 $0x10000, s5;
	s11 =	sadd.s32 s13, s16  }
0x10: {  	s13 =	sadd.s32 s13, s17;
	s16 =	simm.s32 $0x2;
	s17 =	simm.s32 $0x13900  }
0x11: {  	v0 =	vimm.f32 $0.0e+00;
	s12 =	sadd.s32 $0x27000, s13;
	s13 =	smax.u32 s15, $0x1;
	s15 =	simm.s32 $0x13A00  }
.LBB2_1:
0x12: {  	s22 =	simm.s32 $0x0;
	s23 =	simm.s32 $0x200  }
.LBB2_2:
0x13: {  	p1 =	sne.s32 s23, $0xFE00;
	[tilespmem:s22+$0x13A70] =	vst v0  }
0x14: {  	[tilespmem:s22+$0x13A00] =	vst v0  }
0x15: {  	[tilespmem:s22+$0x13A10] =	vst v0  }
.Ltmp0:
0x16: {  	[tilespmem:s22+$0x13A20] =	vst v0;
	(pc) =	sbr.rel @p1 .LBB2_2-.Ltmp0, $4  }
0x17: {  	[tilespmem:s22+$0x13A30] =	vst v0  }
0x18: {  	[tilespmem:s22+$0x13A40] =	vst v0  }
0x19: {  	[tilespmem:s22+$0x13A50] =	vst v0  }
0x1a: {  	[tilespmem:s22+$0x13A60] =	vst v0;
	s22 =	sshra.s32 s23, $0x2;
	s23 =	sadd.s32 $0x200, s23  }
0x1b: {  	[tilespmem:s22+$0x13A70] =	vst v0  }
0x1c: {  	[tilespmem:s22+$0x13A00] =	vst v0  }
0x1d: {  	[tilespmem:s22+$0x13A10] =	vst v0  }
0x1e: {  	[tilespmem:s22+$0x13A20] =	vst v0  }
0x1f: {  	[tilespmem:s22+$0x13A30] =	vst v0  }
0x20: {  	[tilespmem:s22+$0x13A40] =	vst v0  }
0x21: {  	[tilespmem:s22+$0x13A50] =	vst v0  }
0x22: {  	[tilespmem:s22+$0x13A60] =	vst v0  }
0x23: {  	[spmem:s5] =	stream.linear.scatter [tilespmem:s15], [sflag:$0x2], $0x4000, $0x38;
	[tilespmem:$0x17A00] =	vst v63  }
0x24: {  	_ =	swait.ge [sflag:s16], $0x4000  }
0x25: {  	[sflag:s16] =	ssyncset.done $0x0  }
0x26: {  	[sflag:s16] =	ssyncadd.s32 $0xFFFFC000  }
0x27: {  	[spmem:s6] =	stream.linear.scatter [tilespmem:s15], [sflag:$0x2], $0x4000, $0x38;
	[tilespmem:$0x17A00] =	vst v63  }
0x28: {  	_ =	swait.ge [sflag:s16], $0x4000  }
0x29: {  	[sflag:s16] =	ssyncset.done $0x0  }
0x2a: {  	[sflag:s16] =	ssyncadd.s32 $0xFFFFC000  }
0x2b: {  	[spmem:s7] =	stream.linear.scatter [tilespmem:s15], [sflag:$0x2], $0x4000, $0x38;
	[tilespmem:$0x17A00] =	vst v63  }
0x2c: {  	_ =	swait.ge [sflag:s16], $0x4000  }
0x2d: {  	[sflag:s16] =	ssyncset.done $0x0  }
0x2e: {  	[sflag:s16] =	ssyncadd.s32 $0xFFFFC000  }
0x2f: {  	[spmem:s8] =	stream.linear.scatter [tilespmem:s15], [sflag:$0x2], $0x4000, $0x38;
	[tilespmem:$0x17A00] =	vst v63  }
0x30: {  	_ =	swait.ge [sflag:s16], $0x4000  }
0x31: {  	[sflag:s16] =	ssyncset.done $0x0  }
0x32: {  	[sflag:s16] =	ssyncadd.s32 $0xFFFFC000  }
0x33: {  	[spmem:s9] =	stream.linear.scatter [tilespmem:s15], [sflag:$0x2], $0x3800, $0x38;
	[tilespmem:$0x17A00] =	vst v63  }
0x34: {  	_ =	swait.ge [sflag:s16], $0x3800  }
0x35: {  	[sflag:s16] =	ssyncset.done $0x0  }
0x36: {  	s22 =	simm.s32 @!p0 $0x13A00;
	[sflag:s16] =	ssyncadd.s32 $0xFFFFC800  }
0x37: {  	[spmem:s10] =	stream.linear.scatter @!p0 [tilespmem:s22], [sflag:$0x2], $0x1000, $0x38;
	[tilespmem:$0x17A00] =	vst v63  }
0x38: {  	s22 =	simm.s32 @!p0 $0x2  }
0x39: {  	_ =	swait.ge @!p0 [sflag:s22], $0x1000  }
0x3a: {  	[sflag:s22] =	ssyncset.done @!p0 $0x0  }
0x3b: {  	[sflag:s22] =	ssyncadd.s32 @!p0 $0xFFFFF000  }
0x3c: {  	s31 =	sadd.s32 $0x0, s14;
	[bflag:$0x0] =	sbarrier.arrive $0xFFFF  }
0x3d: {  	[tilespmem:s17], [sflag:$0x2] =	stream.linear.gather [hbm4b:s31+s3], $0x100, $0x38;
	[tilespmem:$0x17A00] =	vst v63  }
0x3e: {  	_ =	swait.ge [sflag:s16], $0x100  }
0x3f: {  	[sflag:s16] =	ssyncset.done $0x0  }
0x40: {  	[sflag:s16] =	ssyncadd.s32 $0xFFFFFF00  }
0x41: {  	[tilespmem:s15], [sflag:$0x1] =	stream.indirect.gather [hbm4b:s4+s18], $0x80, s17, s18, $0xb8;
	[tilespmem:$0x17A00] =	vst v63  }
0x42: {  	_ =	swait.ge [sflag:s19], $0x4000  }
0x43: {  	[sflag:s19] =	ssyncset.done $0x0  }
0x44: {  	[sflag:s19] =	ssyncadd.s32 $0xFFFFC000  }
0x45: {  	[spmem:s1] =	stream.indirect.scatter.add.f32 [tilespmem:s15], [sflag:$0x2], $0x80, s20, s18, $0xb8;
	[tilespmem:$0x17A00] =	vst v63  }
0x46: {  	_ =	swait.ge [sflag:s16], $0x4000  }
0x47: {  	s23 =	simm.s32 $0x40;
	s22 =	simm.s32 $0x20;
	[sflag:s16] =	ssyncset.done $0x0  }
.LBB2_4:
0x48: {  	s24 =	sadd.s32 s22, s14  }
0x49: {  	[sflag:s16] =	ssyncadd.s32 $0xFFFFC000;
	s22 =	smov.u32 s23;
	s25 =	sadd.s32 $0x20, s23  }
0x4a: {  	[tilespmem:s17], [sflag:$0x2] =	stream.linear.gather [hbm4b:s24+s3], $0x100, $0x38;
	[tilespmem:$0x17A00] =	vst v63  }
0x4b: {  	p1 =	sne.s32 s23, $0x9C0;
	_ =	swait.ge [sflag:s16], $0x100  }
0x4c: {  	[sflag:s16] =	ssyncset.done $0x0  }
0x4d: {  	[sflag:s16] =	ssyncadd.s32 $0xFFFFFF00  }
0x4e: {  	[tilespmem:s15], [sflag:$0x1] =	stream.indirect.gather [hbm4b:s4+s18], $0x80, s17, s18, $0xb8;
	[tilespmem:$0x17A00] =	vst v63  }
0x4f: {  	_ =	swait.ge [sflag:s19], $0x4000  }
.Ltmp1:
0x50: {  	[sflag:s19] =	ssyncset.done $0x0;
	(pc) =	sbr.rel @p1 .LBB2_4-.Ltmp1, $4  }
0x51: {  	[sflag:s19] =	ssyncadd.s32 $0xFFFFC000  }
0x52: {  	[spmem:s1] =	stream.indirect.scatter.add.f32 [tilespmem:s15], [sflag:$0x2], $0x80, s20, s18, $0xb8;
	[tilespmem:$0x17A00] =	vst v63  }
0x53: {  	_ =	swait.ge [sflag:s16], $0x4000  }
0x54: {  	s23 =	smov.u32 s25;
	[sflag:s16] =	ssyncset.done $0x0  }
0x55: {  	s22 =	sadd.s32 s22, s14;
	[sflag:s16] =	ssyncadd.s32 $0xFFFFC000  }
0x56: {  	[tilespmem:s17], [sflag:$0x2] =	stream.linear.gather [hbm4b:s22+s3], $0x100, $0x38;
	[tilespmem:$0x17A00] =	vst v63  }
0x57: {  	_ =	swait.ge [sflag:s16], $0x100  }
0x58: {  	[sflag:s16] =	ssyncset.done $0x0  }
0x59: {  	[sflag:s16] =	ssyncadd.s32 $0xFFFFFF00  }
0x5a: {  	[tilespmem:s15], [sflag:$0x1] =	stream.indirect.gather [hbm4b:s4+s18], $0x80, s17, s18, $0xb8;
	[tilespmem:$0x17A00] =	vst v63  }
0x5b: {  	_ =	swait.ge [sflag:s19], $0x4000  }
0x5c: {  	[sflag:s19] =	ssyncset.done $0x0  }
0x5d: {  	[sflag:s19] =	ssyncadd.s32 $0xFFFFC000  }
0x5e: {  	[spmem:s1] =	stream.indirect.scatter.add.f32 [tilespmem:s15], [sflag:$0x2], $0x80, s20, s18, $0xb8;
	[tilespmem:$0x17A00] =	vst v63  }
0x5f: {  	_ =	swait.ge [sflag:s16], $0x4000  }
0x60: {  	[sflag:s16] =	ssyncset.done $0x0  }
0x61: {  	s31 =	sshll.u32 s2, $0x6;
	[sflag:s16] =	ssyncadd.s32 $0xFFFFC000  }
0x62: {  	s23 =	sshrl.u32 s5, $0x3;
	s22 =	sor.u32 $0x1C02, s31;
	[bflag:$0x0] =	sbarrier.arrive $0xFFFF  }
0x63: {  	[hbm:s11], [sflag:s22] =	dma.local [spmem:s23], $0x2700  }
0x64: {  	_ =	swait.ge [sflag:s16], $0x2700  }
0x65: {  	s21 =	sadd.s32 $0x1, s21;
	[sflag:s16] =	ssyncset.done $0x0  }
0x66: {  	p1 =	sne.s32 s21, s13;
	s23 =	sshrl.u32 @!p0 s10, $0x3;
	[sflag:s16] =	ssyncadd.s32 $0xFFFFD900  }
0x67: {  	[hbm:s12], [sflag:s22] =	dma.local @!p0 [spmem:s23], $0x100  }
.Ltmp2:
0x68: {  	_ = 	snop;
	(pc) =	sbr.rel @p1 .LBB2_1-.Ltmp2, $4  }
0x69: {  	s22 =	simm.s32 @!p0 $0x2  }
0x6a: {  	_ =	swait.ge @!p0 [sflag:s22], $0x100  }
0x6b: {  	[sflag:s22] =	ssyncset.done @!p0 $0x0  }
0x6c: {  	[sflag:s22] =	ssyncadd.s32 @!p0 $0xFFFFFF00  }
0x6d: {  	_ =	sfence.sel $0x180000  }
0x6e: {  	[bflag:$0x0] =	sbarrier.arrive $0xFFFF  }
0x6f: {  	p0 =	sne.s32 s2, $0x0;
	_ =	strace $0x90000047  }
0x70: {  	s0 =	sadd.s32 @!p0 $0x100000, s0;
	[bflag:$0x2] =	sbarrier.arrive $0xFFFF  }
0x71: {  	[sflag:s0] =	ssyncadd.tile.s32 @!p0 $0x1;
	_ =	shalt  }
.Lfunc_end2:
_tile_overlayer_lowered:
.L_overlay_start_2:
0x72: {  	(tag) =	ssettag $0x2  }
0x73: {  	s0 =	rddreg [dreg:$0x0];
	s2 =	stileid.u32  }
0x74: {  	s1 =	rddreg [dreg:$0x1];
	p0 =	sne.s32 s2, $0x0  }
0x75: {  	s3 =	rddreg [dreg:$0x2];
	[bflag:$0x3] =	sbarrier.arrive $0xFFFF;
	s2 =	simm.s32 @!p0 $0x1C02  }
0x76: {  	[timem:s3], [sflag:s2] =	dma.local @!p0 [hbm:s0], s1  }
0x77: {  	s0 =	simm.s32 @!p0 $0x2  }
0x78: {  	_ =	swait.ge @!p0 [sflag:s0], s1  }
0x79: {  	s1 =	ssub.s32 @!p0 $0x0, s1;
	[sflag:s0] =	ssyncset.done @!p0 $0x0  }
0x7a: {  	[sflag:s0] =	ssyncadd.s32 @!p0 s1  }
0x7b: {  	[bflag:$0x3] =	sbarrier.arrive $0xFFFF  }
0x7c: {  	_ =	shalt  }

</sc_bundles>
